<compile_context>
chip_gen: v7x
topology: tpu7x:2x2x1
jax: 0.10.2.dev20260603
libtpu: 0.0.44.dev20260713+nightly
codegen_flags: <defaults>
</compile_context>

<pallas_src>
import functools

import jax
import jax.numpy as jnp
from jax import lax
from jax.experimental import pallas as pl
from jax.experimental.pallas import tpu as pltpu
from jax.experimental.pallas import tpu_sc as plsc


def _make_gather(N, V, D, NC, NS, chunk):
    NW = NC * NS
    n_per_w = N // NW
    n_chunks = n_per_w // chunk
    n_groups = n_chunks // 2
    mesh = plsc.VectorSubcoreMesh(core_axis_name="c", subcore_axis_name="s")

    @functools.partial(
        pl.kernel,
        mesh=mesh,
        out_type=jax.ShapeDtypeStruct((N, D), jnp.float32),
        scratch_types=[
            pltpu.VMEM((chunk,), jnp.int32),
            pltpu.VMEM((chunk,), jnp.int32),
            pltpu.VMEM((chunk, D), jnp.float32),
            pltpu.VMEM((chunk, D), jnp.float32),
            pltpu.SemaphoreType.DMA,
            pltpu.SemaphoreType.DMA,
            pltpu.SemaphoreType.DMA,
            pltpu.SemaphoreType.DMA,
            pltpu.SemaphoreType.DMA,
            pltpu.SemaphoreType.DMA,
        ],
    )
    def gather_kernel(idx_hbm, table_hbm, out_hbm, idx0, idx1, rows0, rows1,
                      sg0, sg1, sw0, sw1, si0, si1):
        wid = lax.axis_index("s") * NC + lax.axis_index("c")
        base = wid * n_per_w
        idx_b = (idx0, idx1)
        rows_b = (rows0, rows1)
        sg = (sg0, sg1)
        sw = (sw0, sw1)
        si = (si0, si1)

        def idx_src(c):
            return idx_hbm.at[pl.ds(base + c * chunk, chunk)]

        def out_dst(c):
            return out_hbm.at[pl.ds(base + c * chunk, chunk)]

        pltpu.async_copy(idx_src(0), idx0, si0)
        pltpu.async_copy(idx_src(1), idx1, si1)
        pltpu.make_async_copy(idx_src(0), idx0, si0).wait()
        pltpu.async_copy(table_hbm.at[idx0], rows0, sg0)

        def group(g, carry):
            for b in range(2):
                c = g * 2 + b
                nxt = 1 - b

                pltpu.make_async_copy(
                    table_hbm.at[idx_b[b]], rows_b[b], sg[b]
                ).wait()

                def start_next():
                    pltpu.make_async_copy(
                        idx_src(c + 1), idx_b[nxt], si[nxt]
                    ).wait()
                    pltpu.make_async_copy(
                        rows_b[nxt], out_dst(c - 1), sw[nxt]
                    ).wait()
                    pltpu.async_copy(
                        table_hbm.at[idx_b[nxt]], rows_b[nxt], sg[nxt]
                    )

                if b == 0:
                    @pl.when(g > 0)
                    def _():
                        pltpu.make_async_copy(
                            rows_b[nxt], out_dst(c - 1), sw[nxt]
                        ).wait()

                    pltpu.make_async_copy(
                        idx_src(c + 1), idx_b[nxt], si[nxt]
                    ).wait()
                    pltpu.async_copy(
                        table_hbm.at[idx_b[nxt]], rows_b[nxt], sg[nxt]
                    )
                else:
                    @pl.when(g < n_groups - 1)
                    def _():
                        start_next()

                pltpu.async_copy(rows_b[b], out_dst(c), sw[b])

                @pl.when(g < n_groups - 1)
                def _():
                    pltpu.async_copy(idx_src(c + 2), idx_b[b], si[b])

            return carry

        lax.fori_loop(0, n_groups, group, ())

        for b in range(2):
            off = base + ((n_groups - 1) * 2 + b) * chunk
            pltpu.make_async_copy(
                rows_b[b], out_hbm.at[pl.ds(off, chunk)], sw[b]
            ).wait()

    return gather_kernel


def kernel(token_ids, table):
    B, S = token_ids.shape
    V, D = table.shape
    N = B * S
    info = plsc.get_sparse_core_info()
    NC, NS = info.num_cores, info.num_subcores
    ids_flat = token_ids.reshape(N).astype(jnp.int32)
    out = _make_gather(N, V, D, NC, NS, chunk=400)(ids_flat, table)
    return out.reshape(B, S, D)

# --- scband reference (transcript-rebuilt; emitter-appended) ---
"""Pipeline reference for scband-embeddings-11982958756116 (READ-ONLY COPY).

The authoritative reference and input builder live on the scoring server;
editing this copy changes nothing except your own understanding.
"""

import jax, jax.numpy as jnp
import numpy as np

VOCAB = 100000
HIDDEN = 128
BATCH = 4096
SEQ = 200

def setup_inputs(seed: int = 0) -> dict:
    key = jax.random.key(seed)
    k_ids, k_w = jax.random.split(key)
    token_ids = jax.random.randint(k_ids, (BATCH, SEQ), 0, VOCAB, dtype=jnp.int64 if jax.config.jax_enable_x64 else jnp.int32)
    # nn.Embedding default init: N(0, 1)
    table = jax.random.normal(k_w, (VOCAB, HIDDEN), dtype=jnp.float32)
    # post_init_reset_parameters zeroes the pad row (pad_token_id=0)
    table = table.at[0].set(0.0)
    return {"token_ids": token_ids, "table": table}

def reference(token_ids, table):
    # Embeddings.forward: embedding lookup followed by dropout (rate=0.0 -> identity)
    hidden_states = jnp.take(table, token_ids, axis=0)
    return hidden_states

if __name__ == "__main__":
    import jax
    _d = setup_inputs()
    print(jax.jit(kernel)(*tuple(_d.values())))

</pallas_src>

<mosaic_0001>
#map = affine_map<(d0, d1) -> (0)>
#map1 = affine_map<(d0, d1) -> (0, 0)>
module attributes {stable_mosaic.version = 14 : i64} {
  func.func @gather_kernel(%arg0: i32, %arg1: i32, %arg2: memref<819200xi32, #tpu.memory_space<hbm>>, %arg3: memref<100000x128xf32, #tpu.memory_space<hbm>>, %arg4: memref<819200x128xf32, #tpu.memory_space<hbm>>, %arg5: memref<400xi32, #tpu.memory_space<vmem>>, %arg6: memref<400xi32, #tpu.memory_space<vmem>>, %arg7: memref<400x128xf32, #tpu.memory_space<vmem>>, %arg8: memref<400x128xf32, #tpu.memory_space<vmem>>, %arg9: memref<!tpu.dma_semaphore, #tpu.memory_space<semaphore_mem>>, %arg10: memref<!tpu.dma_semaphore, #tpu.memory_space<semaphore_mem>>, %arg11: memref<!tpu.dma_semaphore, #tpu.memory_space<semaphore_mem>>, %arg12: memref<!tpu.dma_semaphore, #tpu.memory_space<semaphore_mem>>, %arg13: memref<!tpu.dma_semaphore, #tpu.memory_space<semaphore_mem>>, %arg14: memref<!tpu.dma_semaphore, #tpu.memory_space<semaphore_mem>>) attributes {dimension_semantics = [#tpu.dimension_semantics<core_parallel>, #tpu.dimension_semantics<subcore_parallel>], iteration_bounds = array<i64: 2, 16>, scalar_prefetch = 0 : i64, scratch_operands = 10 : i64, tpu.core_type = #tpu.core_type<sc_vector_subcore>, window_params = [{transform_indices = #map}, {transform_indices = #map1}, {transform_indices = #map1}]} {
    %mul3A = arith.constant 2 : i32
    %mul3A_0 = arith.muli %arg1, %mul3A : i32
    %add3A = arith.addi %mul3A_0, %arg0 : i32
    %mul3A_1 = arith.constant 25600 : i32
    %mul3A_2 = arith.muli %add3A, %mul3A_1 : i32
    %add3A_3 = arith.constant 0 : i32
    %add3A_4 = arith.addi %mul3A_2, %add3A_3 : i32
    %dma_start3A = tpu.memref_slice %arg2[%add3A_4] : memref<819200xi32, #tpu.memory_space<hbm>> -> memref<400xi32, #tpu.memory_space<hbm>>
    %dma_start3A_5 = tpu.memref_slice %arg2[%add3A_4] : memref<819200xi32, #tpu.memory_space<hbm>> -> memref<400xi32, #tpu.memory_space<hbm>>
    tpu.enqueue_dma source(%dma_start3A_5 : memref<400xi32, #tpu.memory_space<hbm>>) target(%arg5 : memref<400xi32, #tpu.memory_space<vmem>>) target_semaphore(%arg13 : memref<!tpu.dma_semaphore, #tpu.memory_space<semaphore_mem>>)
    %add3A_6 = arith.constant 400 : i32
    %add3A_7 = arith.addi %mul3A_2, %add3A_6 : i32
    %dma_start3A_8 = tpu.memref_slice %arg2[%add3A_7] : memref<819200xi32, #tpu.memory_space<hbm>> -> memref<400xi32, #tpu.memory_space<hbm>>
    %dma_start3A_9 = tpu.memref_slice %arg2[%add3A_7] : memref<819200xi32, #tpu.memory_space<hbm>> -> memref<400xi32, #tpu.memory_space<hbm>>
    tpu.enqueue_dma source(%dma_start3A_9 : memref<400xi32, #tpu.memory_space<hbm>>) target(%arg6 : memref<400xi32, #tpu.memory_space<vmem>>) target_semaphore(%arg14 : memref<!tpu.dma_semaphore, #tpu.memory_space<semaphore_mem>>)
    %add3A_10 = arith.constant 0 : i32
    %add3A_11 = arith.addi %mul3A_2, %add3A_10 : i32
    %dma_wait3A = tpu.memref_slice %arg2[%add3A_11] : memref<819200xi32, #tpu.memory_space<hbm>> -> memref<400xi32, #tpu.memory_space<hbm>>
    %dma_wait3A_12 = tpu.memref_slice %arg2[%add3A_11] : memref<819200xi32, #tpu.memory_space<hbm>> -> memref<400xi32, #tpu.memory_space<hbm>>
    tpu.wait_dma2 semaphore(%arg13 : memref<!tpu.dma_semaphore, #tpu.memory_space<semaphore_mem>>) src(%dma_wait3A_12 : memref<400xi32, #tpu.memory_space<hbm>>) dst(%arg5 : memref<400xi32, #tpu.memory_space<vmem>>)
    %dma_start3A_13 = arith.constant 0 : i32
    %dma_start3A_14 = arith.constant 0 : i32
    %dma_start3A_15 = tpu.memref_slice %arg3[%dma_start3A_13, %dma_start3A_14] : memref<100000x128xf32, #tpu.memory_space<hbm>> -> memref<100000x128xf32, #tpu.memory_space<hbm>>
    tpu.enqueue_indirect_dma source(%dma_start3A_15 : memref<100000x128xf32, #tpu.memory_space<hbm>>) target(%arg7 : memref<400x128xf32, #tpu.memory_space<vmem>>) offsets(%arg5 : memref<400xi32, #tpu.memory_space<vmem>>) semaphore(%arg9 : memref<!tpu.dma_semaphore, #tpu.memory_space<semaphore_mem>>)
    %scan3A = arith.constant 0 : i32
    %scan3A_16 = arith.constant 32 : i32
    %scan3A_17 = arith.addi %scan3A, %scan3A_16 : i32
    %scan3A_18 = arith.constant 1 : i32
    scf.for %scan3A_32 = %scan3A to %scan3A_17 step %scan3A_18  : i32 {
      %mul3A_33 = arith.constant 2 : i32
      %mul3A_34 = arith.muli %scan3A_32, %mul3A_33 : i32
      %add3A_35 = arith.constant 0 : i32
      %add3A_36 = arith.addi %mul3A_34, %add3A_35 : i32
      %dma_wait3A_37 = arith.constant 0 : i32
      %dma_wait3A_38 = arith.constant 0 : i32
      %dma_wait3A_39 = tpu.memref_slice %arg3[%dma_wait3A_37, %dma_wait3A_38] : memref<100000x128xf32, #tpu.memory_space<hbm>> -> memref<100000x128xf32, #tpu.memory_space<hbm>>
      tpu.wait_indirect_dma semaphore(%arg9 : memref<!tpu.dma_semaphore, #tpu.memory_space<semaphore_mem>>) src(%dma_wait3A_39 : memref<100000x128xf32, #tpu.memory_space<hbm>>) dst(%arg7 : memref<400x128xf32, #tpu.memory_space<vmem>>)
      %gt3A = arith.constant 0 : i32
      %gt3A_40 = arith.cmpi sgt, %scan3A_32, %gt3A : i32
      %convert_element_type3A = arith.extui %gt3A_40 : i1 to i32
      %cond3A = arith.constant 0 : i32
      %cond3A_41 = arith.cmpi ne, %convert_element_type3A, %cond3A : i32
      scf.if %cond3A_41 {
        %sub3A = arith.constant 1 : i32
        %sub3A_87 = arith.subi %add3A_36, %sub3A : i32
        %mul3A_88 = arith.constant 400 : i32
        %mul3A_89 = arith.muli %sub3A_87, %mul3A_88 : i32
        %add3A_90 = arith.addi %mul3A_2, %mul3A_89 : i32
        %dma_wait3A_91 = arith.constant 0 : i32
        %dma_wait3A_92 = tpu.memref_slice %arg4[%add3A_90, %dma_wait3A_91] : memref<819200x128xf32, #tpu.memory_space<hbm>> -> memref<400x128xf32, #tpu.memory_space<hbm>>
        %dma_wait3A_93 = arith.constant 0 : i32
        %dma_wait3A_94 = tpu.memref_slice %arg4[%add3A_90, %dma_wait3A_93] : memref<819200x128xf32, #tpu.memory_space<hbm>> -> memref<400x128xf32, #tpu.memory_space<hbm>>
        tpu.wait_dma2 semaphore(%arg12 : memref<!tpu.dma_semaphore, #tpu.memory_space<semaphore_mem>>) src(%arg8 : memref<400x128xf32, #tpu.memory_space<vmem>>) dst(%dma_wait3A_94 : memref<400x128xf32, #tpu.memory_space<hbm>>)
      } else {
      }
      %add3A_42 = arith.constant 1 : i32
      %add3A_43 = arith.addi %add3A_36, %add3A_42 : i32
      %mul3A_44 = arith.constant 400 : i32
      %mul3A_45 = arith.muli %add3A_43, %mul3A_44 : i32
      %add3A_46 = arith.addi %mul3A_2, %mul3A_45 : i32
      %dma_wait3A_47 = tpu.memref_slice %arg2[%add3A_46] : memref<819200xi32, #tpu.memory_space<hbm>> -> memref<400xi32, #tpu.memory_space<hbm>>
      %dma_wait3A_48 = tpu.memref_slice %arg2[%add3A_46] : memref<819200xi32, #tpu.memory_space<hbm>> -> memref<400xi32, #tpu.memory_space<hbm>>
      tpu.wait_dma2 semaphore(%arg14 : memref<!tpu.dma_semaphore, #tpu.memory_space<semaphore_mem>>) src(%dma_wait3A_48 : memref<400xi32, #tpu.memory_space<hbm>>) dst(%arg6 : memref<400xi32, #tpu.memory_space<vmem>>)
      %dma_start3A_49 = arith.constant 0 : i32
      %dma_start3A_50 = arith.constant 0 : i32
      %dma_start3A_51 = tpu.memref_slice %arg3[%dma_start3A_49, %dma_start3A_50] : memref<100000x128xf32, #tpu.memory_space<hbm>> -> memref<100000x128xf32, #tpu.memory_space<hbm>>
      tpu.enqueue_indirect_dma source(%dma_start3A_51 : memref<100000x128xf32, #tpu.memory_space<hbm>>) target(%arg8 : memref<400x128xf32, #tpu.memory_space<vmem>>) offsets(%arg6 : memref<400xi32, #tpu.memory_space<vmem>>) semaphore(%arg10 : memref<!tpu.dma_semaphore, #tpu.memory_space<semaphore_mem>>)
      %mul3A_52 = arith.constant 400 : i32
      %mul3A_53 = arith.muli %add3A_36, %mul3A_52 : i32
      %add3A_54 = arith.addi %mul3A_2, %mul3A_53 : i32
      %dma_start3A_55 = arith.constant 0 : i32
      %dma_start3A_56 = tpu.memref_slice %arg4[%add3A_54, %dma_start3A_55] : memref<819200x128xf32, #tpu.memory_space<hbm>> -> memref<400x128xf32, #tpu.memory_space<hbm>>
      %dma_start3A_57 = arith.constant 0 : i32
      %dma_start3A_58 = tpu.memref_slice %arg4[%add3A_54, %dma_start3A_57] : memref<819200x128xf32, #tpu.memory_space<hbm>> -> memref<400x128xf32, #tpu.memory_space<hbm>>
      tpu.enqueue_dma source(%arg7 : memref<400x128xf32, #tpu.memory_space<vmem>>) target(%dma_start3A_58 : memref<400x128xf32, #tpu.memory_space<hbm>>) target_semaphore(%arg11 : memref<!tpu.dma_semaphore, #tpu.memory_space<semaphore_mem>>)
      %lt3A = arith.constant 31 : i32
      %lt3A_59 = arith.cmpi slt, %scan3A_32, %lt3A : i32
      %convert_element_type3A_60 = arith.extui %lt3A_59 : i1 to i32
      %cond3A_61 = arith.constant 0 : i32
      %cond3A_62 = arith.cmpi ne, %convert_element_type3A_60, %cond3A_61 : i32
      scf.if %cond3A_62 {
        %add3A_87 = arith.constant 2 : i32
        %add3A_88 = arith.addi %add3A_36, %add3A_87 : i32
        %mul3A_89 = arith.constant 400 : i32
        %mul3A_90 = arith.muli %add3A_88, %mul3A_89 : i32
        %add3A_91 = arith.addi %mul3A_2, %mul3A_90 : i32
        %dma_start3A_92 = tpu.memref_slice %arg2[%add3A_91] : memref<819200xi32, #tpu.memory_space<hbm>> -> memref<400xi32, #tpu.memory_space<hbm>>
        %dma_start3A_93 = tpu.memref_slice %arg2[%add3A_91] : memref<819200xi32, #tpu.memory_space<hbm>> -> memref<400xi32, #tpu.memory_space<hbm>>
        tpu.enqueue_dma source(%dma_start3A_93 : memref<400xi32, #tpu.memory_space<hbm>>) target(%arg5 : memref<400xi32, #tpu.memory_space<vmem>>) target_semaphore(%arg13 : memref<!tpu.dma_semaphore, #tpu.memory_space<semaphore_mem>>)
      } else {
      }
      %mul3A_63 = arith.constant 2 : i32
      %mul3A_64 = arith.muli %scan3A_32, %mul3A_63 : i32
      %add3A_65 = arith.constant 1 : i32
      %add3A_66 = arith.addi %mul3A_64, %add3A_65 : i32
      %dma_wait3A_67 = arith.constant 0 : i32
      %dma_wait3A_68 = arith.constant 0 : i32
      %dma_wait3A_69 = tpu.memref_slice %arg3[%dma_wait3A_67, %dma_wait3A_68] : memref<100000x128xf32, #tpu.memory_space<hbm>> -> memref<100000x128xf32, #tpu.memory_space<hbm>>
      tpu.wait_indirect_dma semaphore(%arg10 : memref<!tpu.dma_semaphore, #tpu.memory_space<semaphore_mem>>) src(%dma_wait3A_69 : memref<100000x128xf32, #tpu.memory_space<hbm>>) dst(%arg8 : memref<400x128xf32, #tpu.memory_space<vmem>>)
      %lt3A_70 = arith.constant 31 : i32
      %lt3A_71 = arith.cmpi slt, %scan3A_32, %lt3A_70 : i32
      %convert_element_type3A_72 = arith.extui %lt3A_71 : i1 to i32
      %cond3A_73 = arith.constant 0 : i32
      %cond3A_74 = arith.cmpi ne, %convert_element_type3A_72, %cond3A_73 : i32
      scf.if %cond3A_74 {
        %add3A_87 = arith.constant 1 : i32
        %add3A_88 = arith.addi %add3A_66, %add3A_87 : i32
        %mul3A_89 = arith.constant 400 : i32
        %mul3A_90 = arith.muli %add3A_88, %mul3A_89 : i32
        %add3A_91 = arith.addi %mul3A_2, %mul3A_90 : i32
        %dma_wait3A_92 = tpu.memref_slice %arg2[%add3A_91] : memref<819200xi32, #tpu.memory_space<hbm>> -> memref<400xi32, #tpu.memory_space<hbm>>
        %dma_wait3A_93 = tpu.memref_slice %arg2[%add3A_91] : memref<819200xi32, #tpu.memory_space<hbm>> -> memref<400xi32, #tpu.memory_space<hbm>>
        tpu.wait_dma2 semaphore(%arg13 : memref<!tpu.dma_semaphore, #tpu.memory_space<semaphore_mem>>) src(%dma_wait3A_93 : memref<400xi32, #tpu.memory_space<hbm>>) dst(%arg5 : memref<400xi32, #tpu.memory_space<vmem>>)
        %sub3A = arith.constant 1 : i32
        %sub3A_94 = arith.subi %add3A_66, %sub3A : i32
        %mul3A_95 = arith.constant 400 : i32
        %mul3A_96 = arith.muli %sub3A_94, %mul3A_95 : i32
        %add3A_97 = arith.addi %mul3A_2, %mul3A_96 : i32
        %dma_wait3A_98 = arith.constant 0 : i32
        %dma_wait3A_99 = tpu.memref_slice %arg4[%add3A_97, %dma_wait3A_98] : memref<819200x128xf32, #tpu.memory_space<hbm>> -> memref<400x128xf32, #tpu.memory_space<hbm>>
        %dma_wait3A_100 = arith.constant 0 : i32
        %dma_wait3A_101 = tpu.memref_slice %arg4[%add3A_97, %dma_wait3A_100] : memref<819200x128xf32, #tpu.memory_space<hbm>> -> memref<400x128xf32, #tpu.memory_space<hbm>>
        tpu.wait_dma2 semaphore(%arg11 : memref<!tpu.dma_semaphore, #tpu.memory_space<semaphore_mem>>) src(%arg7 : memref<400x128xf32, #tpu.memory_space<vmem>>) dst(%dma_wait3A_101 : memref<400x128xf32, #tpu.memory_space<hbm>>)
        %dma_start3A_102 = arith.constant 0 : i32
        %dma_start3A_103 = arith.constant 0 : i32
        %dma_start3A_104 = tpu.memref_slice %arg3[%dma_start3A_102, %dma_start3A_103] : memref<100000x128xf32, #tpu.memory_space<hbm>> -> memref<100000x128xf32, #tpu.memory_space<hbm>>
        tpu.enqueue_indirect_dma source(%dma_start3A_104 : memref<100000x128xf32, #tpu.memory_space<hbm>>) target(%arg7 : memref<400x128xf32, #tpu.memory_space<vmem>>) offsets(%arg5 : memref<400xi32, #tpu.memory_space<vmem>>) semaphore(%arg9 : memref<!tpu.dma_semaphore, #tpu.memory_space<semaphore_mem>>)
      } else {
      }
      %mul3A_75 = arith.constant 400 : i32
      %mul3A_76 = arith.muli %add3A_66, %mul3A_75 : i32
      %add3A_77 = arith.addi %mul3A_2, %mul3A_76 : i32
      %dma_start3A_78 = arith.constant 0 : i32
      %dma_start3A_79 = tpu.memref_slice %arg4[%add3A_77, %dma_start3A_78] : memref<819200x128xf32, #tpu.memory_space<hbm>> -> memref<400x128xf32, #tpu.memory_space<hbm>>
      %dma_start3A_80 = arith.constant 0 : i32
      %dma_start3A_81 = tpu.memref_slice %arg4[%add3A_77, %dma_start3A_80] : memref<819200x128xf32, #tpu.memory_space<hbm>> -> memref<400x128xf32, #tpu.memory_space<hbm>>
      tpu.enqueue_dma source(%arg8 : memref<400x128xf32, #tpu.memory_space<vmem>>) target(%dma_start3A_81 : memref<400x128xf32, #tpu.memory_space<hbm>>) target_semaphore(%arg12 : memref<!tpu.dma_semaphore, #tpu.memory_space<semaphore_mem>>)
      %lt3A_82 = arith.constant 31 : i32
      %lt3A_83 = arith.cmpi slt, %scan3A_32, %lt3A_82 : i32
      %convert_element_type3A_84 = arith.extui %lt3A_83 : i1 to i32
      %cond3A_85 = arith.constant 0 : i32
      %cond3A_86 = arith.cmpi ne, %convert_element_type3A_84, %cond3A_85 : i32
      scf.if %cond3A_86 {
        %add3A_87 = arith.constant 2 : i32
        %add3A_88 = arith.addi %add3A_66, %add3A_87 : i32
        %mul3A_89 = arith.constant 400 : i32
        %mul3A_90 = arith.muli %add3A_88, %mul3A_89 : i32
        %add3A_91 = arith.addi %mul3A_2, %mul3A_90 : i32
        %dma_start3A_92 = tpu.memref_slice %arg2[%add3A_91] : memref<819200xi32, #tpu.memory_space<hbm>> -> memref<400xi32, #tpu.memory_space<hbm>>
        %dma_start3A_93 = tpu.memref_slice %arg2[%add3A_91] : memref<819200xi32, #tpu.memory_space<hbm>> -> memref<400xi32, #tpu.memory_space<hbm>>
        tpu.enqueue_dma source(%dma_start3A_93 : memref<400xi32, #tpu.memory_space<hbm>>) target(%arg6 : memref<400xi32, #tpu.memory_space<vmem>>) target_semaphore(%arg14 : memref<!tpu.dma_semaphore, #tpu.memory_space<semaphore_mem>>)
      } else {
      }
    }
    %scan3A_19 = arith.constant 32 : i32
    %add3A_20 = arith.constant 24800 : i32
    %add3A_21 = arith.addi %mul3A_2, %add3A_20 : i32
    %dma_wait3A_22 = arith.constant 0 : i32
    %dma_wait3A_23 = tpu.memref_slice %arg4[%add3A_21, %dma_wait3A_22] : memref<819200x128xf32, #tpu.memory_space<hbm>> -> memref<400x128xf32, #tpu.memory_space<hbm>>
    %dma_wait3A_24 = arith.constant 0 : i32
    %dma_wait3A_25 = tpu.memref_slice %arg4[%add3A_21, %dma_wait3A_24] : memref<819200x128xf32, #tpu.memory_space<hbm>> -> memref<400x128xf32, #tpu.memory_space<hbm>>
    tpu.wait_dma2 semaphore(%arg11 : memref<!tpu.dma_semaphore, #tpu.memory_space<semaphore_mem>>) src(%arg7 : memref<400x128xf32, #tpu.memory_space<vmem>>) dst(%dma_wait3A_25 : memref<400x128xf32, #tpu.memory_space<hbm>>)
    %add3A_26 = arith.constant 25200 : i32
    %add3A_27 = arith.addi %mul3A_2, %add3A_26 : i32
    %dma_wait3A_28 = arith.constant 0 : i32
    %dma_wait3A_29 = tpu.memref_slice %arg4[%add3A_27, %dma_wait3A_28] : memref<819200x128xf32, #tpu.memory_space<hbm>> -> memref<400x128xf32, #tpu.memory_space<hbm>>
    %dma_wait3A_30 = arith.constant 0 : i32
    %dma_wait3A_31 = tpu.memref_slice %arg4[%add3A_27, %dma_wait3A_30] : memref<819200x128xf32, #tpu.memory_space<hbm>> -> memref<400x128xf32, #tpu.memory_space<hbm>>
    tpu.wait_dma2 semaphore(%arg12 : memref<!tpu.dma_semaphore, #tpu.memory_space<semaphore_mem>>) src(%arg8 : memref<400x128xf32, #tpu.memory_space<vmem>>) dst(%dma_wait3A_31 : memref<400x128xf32, #tpu.memory_space<hbm>>)
    return
  }
}

</mosaic_0001>

<sc_bundles>
// kernel: kernel.3.cloned.1.call-start
scs
__scs_entry_jumppad:
0x0: {  	(pc) =	sbr.rel $0x88, $3  }
0x1: {  	(tag) =	ssettag $0x0;
	lr =	simm.s32 $0x1  }
0x2: {  	[smem:$0x3F9F] =	sst lr;
	_ =	strace $0xD0000000  }
0x3: {  	_ = 	snop  }
0x4: {  	_ = 	snop  }
0x5: {  	_ = 	snop  }
0x6: {  	_ = 	snop  }
0x7: {  	_ = 	snop  }
__scs_overlays_trampoline_lowered:
0x8: {  	[smem:$0x3FAE] =	sst s0  }
0x9: {  	[smem:$0x3FAF] =	sst s1  }
0xa: {  	[smem:$0x3FB0] =	sst s2  }
0xb: {  	[smem:$0x3FB1] =	sst s3  }
0xc: {  	[smem:$0x3FB2] =	sst s4  }
0xd: {  	[smem:$0x3FB3] =	sst s5  }
0xe: {  	[smem:$0x3FB4] =	sst s6  }
0xf: {  	[smem:$0x3FB5] =	sst s7  }
0x10: {  	[smem:$0x3FB6] =	sst s8  }
0x11: {  	[smem:$0x3FB7] =	sst s9;
	s0 =	simm.s32 @!p0 $0x0  }
0x12: {  	s1 =	sld [smem:$0x3F9D];
	s0 =	simm.s32 @p0 $0x1  }
0x13: {  	[smem:$0x3FB8] =	sst s0;
	s0 =	simm.s32 @!p1 $0x0  }
0x14: {  	s2 =	sld [smem:$0x3F9C];
	s0 =	simm.s32 @p1 $0x1  }
0x15: {  	[smem:$0x3FB9] =	sst s0;
	s0 =	simm.s32 @!p2 $0x0  }
0x16: {  	s3 =	sld [smem:$0x3FDB];
	s0 =	simm.s32 @p2 $0x1  }
0x17: {  	s4 =	simm.s32 $0x1BF5;
	[smem:$0x3FBB] =	sst s0  }
0x18: {  	s0 =	sld [smem:$0x3F9E];
	_ =	swait.ge [sflag:s4], $0x0  }
0x19: {  	s7 =	sld [smem:$0x3F9F]  }
0x1a: {  	s8 =	sadd.s32 $0xFFFFE003, lr  }
0x1b: {  	s9 =	sadd.s32 $0xFFFFFEF7, lr;
	s5 =	simm.s32 $0xFFFFFFFF;
	p2 =	slt.u32 s8, $0xFFFFF086  }
0x1c: {  	p1 =	slt.u32 s9, $0xF7A;
	s5 =	simm.s32 @!p2 $0x0  }
0x1d: {  	s5 =	simm.s32 @p1 $0x1;
	p0 =	seq.s32 s7, s2  }
0x1e: {  	s7 =	smul.u32 @!p0 $0xF7A, s2;
	p2 =	seq.s32 @!p0 s5, $0x0  }
0x1f: {  	s9 =	smul.u32 $0xF7A, s1;
	s8 =	simm.s32 @!p0 $0x1BF5;
	p2 =	por !p2, p0  }
0x20: {  	[sflag:s8] =	ssyncset.s32 @!p0 $0xFFFFF086;
	s6 =	sadd.s32 @!p0 s3, s7;
	s7 =	simm.s32 @!p0 $0x108  }
0x21: {  	s3 =	sadd.s32 s3, s9;
	s6 =	sadd.s32 @!p0 $0x88, s6;
	s7 =	simm.s32 @p2 $0x1082  }
0x22: {  	[simem:s7], [sflag:s8] =	dma.local @!p0 [hbm:s6], $0xF7A  }
0x23: {  	s9 =	sor.u32 $0xD0000000, s2;
	s6 =	simm.s32 $0x108;
	_ =	swait.ge @!p0 [sflag:s8], $0x0  }
0x24: {  	s3 =	sadd.s32 $0x88, s3;
	s6 =	simm.s32 @!p1 $0x1082;
	[sflag:s4] =	ssyncset.s32 $0xFFFFF086  }
0x25: {  	[simem:s6], [sflag:s4] =	dma.local [hbm:s3], $0xF7A  }
0x26: {  	[smem:$0x3F9F] =	sst s1;
	(tag) =	ssettag s2;
	_ =	strace s9  }
0x27: {  	s1 =	sld [smem:$0x3FAF]  }
0x28: {  	s2 =	sld [smem:$0x3FB0]  }
0x29: {  	s4 =	sld [smem:$0x3FB2]  }
0x2a: {  	p0 =	seq.s32 s5, $0x0;
	s5 =	sld [smem:$0x3FB3]  }
0x2b: {  	s6 =	sld [smem:$0x3FB4]  }
0x2c: {  	s7 =	sld [smem:$0x3FB5]  }
0x2d: {  	s3 =	simm.s32 $0x108;
	s8 =	sld [smem:$0x3FB6]  }
0x2e: {  	s3 =	simm.s32 @!p0 $0x1082;
	s9 =	sld [smem:$0x3FB7]  }
0x2f: {  	lr =	sadd.s32 s0, s3;
	s0 =	sld [smem:$0x3FAE]  }
0x30: {  	s3 =	sld [smem:$0x3FB1]  }
0x31: {  	[smem:$0x3FBA] =	sst s10  }
0x32: {  	s10 =	sld [smem:$0x3FB8];
	_ =	sdelay $0x3  }
0x33: {  	p0 =	seq.s32 s10, $0x1;
	s10 =	sld [smem:$0x3FBA];
	_ =	sdelay $0x3  }
0x34: {  	[smem:$0x3FBA] =	sst s10  }
0x35: {  	s10 =	sld [smem:$0x3FB9];
	_ =	sdelay $0x3  }
0x36: {  	p1 =	seq.s32 s10, $0x1;
	s10 =	sld [smem:$0x3FBA];
	_ =	sdelay $0x3  }
0x37: {  	[smem:$0x3FBA] =	sst s10  }
0x38: {  	s10 =	sld [smem:$0x3FBB]  }
0x39: {  	_ = 	snop;
	(pc) =	sbr.ind lr, $3  }
0x3a: {  	_ = 	snop  }
0x3b: {  	_ = 	snop  }
0x3c: {  	p2 =	seq.s32 s10, $0x1;
	s10 =	sld [smem:$0x3FBA]  }
0x3d: {  	_ =	shalt  }
0x3e: {  	_ =	shalt  }
0x3f: {  	_ =	shalt  }
0x40: {  	_ =	shalt  }
0x41: {  	_ =	shalt  }
0x42: {  	_ =	shalt  }
0x43: {  	_ =	shalt  }
0x44: {  	_ =	shalt  }
0x45: {  	_ =	shalt  }
0x46: {  	_ =	shalt  }
0x47: {  	_ =	shalt  }
0x48: {  	_ =	shalt  }
0x49: {  	_ =	shalt  }
0x4a: {  	_ =	shalt  }
0x4b: {  	_ =	shalt  }
0x4c: {  	_ =	shalt  }
0x4d: {  	_ =	shalt  }
0x4e: {  	_ =	shalt  }
0x4f: {  	_ =	shalt  }
0x50: {  	_ =	shalt  }
0x51: {  	_ =	shalt  }
0x52: {  	_ =	shalt  }
0x53: {  	_ =	shalt  }
0x54: {  	_ =	shalt  }
0x55: {  	_ =	shalt  }
0x56: {  	_ =	shalt  }
0x57: {  	_ =	shalt  }
0x58: {  	_ =	shalt  }
0x59: {  	_ =	shalt  }
0x5a: {  	_ =	shalt  }
0x5b: {  	_ =	shalt  }
0x5c: {  	_ =	shalt  }
0x5d: {  	_ =	shalt  }
0x5e: {  	_ =	shalt  }
0x5f: {  	_ =	shalt  }
0x60: {  	_ =	shalt  }
0x61: {  	_ =	shalt  }
0x62: {  	_ =	shalt  }
0x63: {  	_ =	shalt  }
0x64: {  	_ =	shalt  }
0x65: {  	_ =	shalt  }
0x66: {  	_ =	shalt  }
0x67: {  	_ =	shalt  }
0x68: {  	_ =	shalt  }
0x69: {  	_ =	shalt  }
0x6a: {  	_ =	shalt  }
0x6b: {  	_ =	shalt  }
0x6c: {  	_ =	shalt  }
0x6d: {  	_ =	shalt  }
0x6e: {  	_ =	shalt  }
0x6f: {  	_ =	shalt  }
0x70: {  	_ =	shalt  }
0x71: {  	_ =	shalt  }
0x72: {  	_ =	shalt  }
0x73: {  	_ =	shalt  }
0x74: {  	_ =	shalt  }
0x75: {  	_ =	shalt  }
0x76: {  	_ =	shalt  }
0x77: {  	_ =	shalt  }
0x78: {  	_ =	shalt  }
0x79: {  	_ =	shalt  }
0x7a: {  	_ =	shalt  }
0x7b: {  	_ =	shalt  }
0x7c: {  	_ =	shalt  }
0x7d: {  	_ =	shalt  }
0x7e: {  	_ =	shalt  }
0x7f: {  	_ =	shalt  }
0x80: {  	_ =	shalt  }
0x81: {  	_ =	shalt  }
0x82: {  	_ =	shalt  }
0x83: {  	_ =	shalt  }
0x84: {  	_ =	shalt  }
0x85: {  	_ =	shalt  }
0x86: {  	_ =	shalt  }
0x87: {  	_ =	shalt  }
.Lfunc_end0:
.L_simem_size_0:
called_computation_lowered:
.L_overlay_start_0:
0x88: {  	s2 =	sld [smem:$0x3FD9]  }
0x89: {  	s3 =	sld [smem:$0x3FFE];
	_ =	sdelay $0x1  }
0x8a: {  	s1 =	srdreg.scid  }
0x8b: {  	s0 =	sand.u32 $0x1, s1  }
0x8c: {  	s17 =	sshll.u32 s0, $0xA;
	s2 =	sadd.s32 s3, s2  }
0x8d: {  	s2 =	sadd.s32 s2, s17  }
0x8e: {  	[smem:$0x3FC6] =	sst s2  }
0x8f: {  	_ = 	snop  }
0x90: {  	s2 =	sld [smem:$0x3FC8]  }
0x91: {  	s18 =	sld [smem:$0x3FD0];
	(tm) =	ssettm $0x1  }
0x92: {  	s4 =	sld [smem:$0x3FFB];
	_ =	sdelay $0x3  }
0x93: {  	_ =	strace s4  }
0x94: {  	s4 =	sld [smem:$0x3FFC];
	_ =	sdelay $0x3  }
0x95: {  	_ =	strace s4  }
0x96: {  	s4 =	sld [smem:$0x3FFD];
	_ =	sdelay $0x3  }
0x97: {  	_ =	strace s4  }
0x98: {  	_ =	strace $0x8FFFFFFF  }
0x99: {  	s19 =	sld [smem:$0x3FDB];
	_ =	sdelay $0x1  }
0x9a: {  	s5 =	simm.s32 $_scs_section_size  }
0x9b: {  	s6 =	simm.s32 $_size__tile_overlayer_lowered;
	s7 =	simm.s32 $_tile_overlayer_lowered  }
0x9c: {  	s22 =	simm.s32 $0x1BFF;
	s21 =	sshll.u32 s7, $0x1;
	s4 =	sadd.s32 s5, s19  }
0x9d: {  	s8 =	simm.s32 $0x0;
	s20 =	sshll.u32 s6, $0x1;
	s6 =	sadd.s32 s21, s4  }
0x9e: {  	[timem:s8], [sflag:s22] =	dma.local [hbm:s6], s20  }
0x9f: {  	_ =	swait.ge [sflag:s22], s20  }
0xa0: {  	s5 =	ssub.s32 $0x0, s20;
	[sflag:s22] =	ssyncset.done $0x0  }
0xa1: {  	[sflag:s22] =	ssyncadd.s32 s5;
	_ =	sdelay $0x1  }
0xa2: {  	s23 =	simm.s32 $0x1B8B  }
0xa3: {  	_ =	swait.ge [sflag:s23], $0x1  }
0xa4: {  	[sflag:s23] =	ssyncset.done $0x0  }
0xa5: {  	s25 =	simm.s32 $0x1B8E;
	s24 =	sld [smem:$0x3FFE];
	[sflag:s23] =	ssyncadd.s32 $0xFFFFFFFF  }
0xa6: {  	s26 =	simm.s32 $execute0_lowered;
	[smem:$0x3FD2] =	sst s25  }
0xa7: {  	s6 =	sshll.u32 s26, $0x1;
	_ =	strace $0x80000046;
	[dreg:$0x1] =	wrdreg $0xFFFFFFFF  }
0xa8: {  	s28 =	simm.s32 $_size_execute0_lowered;
	s4 =	sadd.s32 s4, s6;
	[dreg:$0x0] =	wrdreg $0x0  }
0xa9: {  	s6 =	sshll.u32 s28, $0x1;
	[dreg:$0x2] =	wrdreg s4  }
0xaa: {  	[dreg:$0x3] =	wrdreg s6  }
0xab: {  	[dreg:$0x4] =	wrdreg $0xC0  }
0xac: {  	_ =	task [dreg:s8], $0x5FFFF  }
0xad: {  	[dreg:$0x1] =	wrdreg $0xFFFFFFFF  }
0xae: {  	[dreg:$0x0] =	wrdreg $0x60  }
0xaf: {  	[dreg:$0x2] =	wrdreg s24  }
0xb0: {  	[dreg:$0x3] =	wrdreg s2  }
0xb1: {  	[dreg:$0x4] =	wrdreg s18  }
0xb2: {  	[dreg:$0x5] =	wrdreg $0x9  }
0xb3: {  	_ =	task.clear_ibuf [dreg:s8], $0x6FFFF;
	_ =	strace $0x90000046  }
0xb4: {  	s29 =	simm.s32 $0x9;
	_ =	strace $0x80000048  }
0xb5: {  	_ =	swait.ge [sflag:s29], $0x1  }
0xb6: {  	[sflag:s29] =	ssyncadd.s32 $0xFFFFFFFF  }
0xb7: {  	_ =	strace $0x90000048  }
0xb8: {  	_ =	sfence  }
0xb9: {  	s30 =	sld [smem:$0x0];
	_ =	sdelay $0x2  }
0xba: {  	s31 =	sshll.u32 s1, $0xD;
	s1 =	sshrl.u32 s1, $0x2  }
0xbb: {  	s3 =	sand.u32 $0x4000, s31;
	s1 =	sadd.s32 s1, s30  }
0xbc: {  	s0 =	sor.u32 s3, s0;
	s1 =	sshll.u32 s1, $0x11  }
0xbd: {  	s0 =	sor.u32 s1, s0  }
0xbe: {  	s0 =	sadd.s32 $0x8F2B, s0  }
0xbf: {  	[sflag:s0] =	ssyncadd.remote.s32 $0x1  }
0xc0: {  	_ =	sfence.sel $0xFFFF  }
0xc1: {  	[dreg:$0x0] =	wrdreg $0xFFFFFFFF;
	(pc) =	sbr.abs _section_cstart, $3  }
0xc2: {  	[dreg:$0x1] =	wrdreg $0xFFFFFFFF  }
0xc3: {  	_ =	task.clear_ibuf [dreg:s8], $0x2FFFF;
	_ =	strace $0x9FFFFFFF  }
0xc4: {  	(tm) =	ssettm $0x7FFFFFFF  }
0xc5: {  	_ =	shalt  }
tec
execute0_lowered:
.L_overlay_start_1:
0x0: {  	(tag) =	ssettag $0x1  }
0x1: {  	s4 =	rddreg [dreg:$0x0]  }
0x2: {  	s1 =	srdreg.scid;
	s2 =	rddreg [dreg:$0x1]  }
0x3: {  	s0 =	stileid.u32;
	s12 =	rddreg [dreg:$0x2]  }
0x4: {  	s3 =	simm.s32 $0x0;
	s18 =	simm.s32 $0x1;
	s19 =	simm.s32 $0x6  }
0x5: {  	s20 =	simm.s32 $0xCC00;
	s21 =	simm.s32 $0x2;
	s22 =	simm.s32 $0x3  }
0x6: {  	s23 =	simm.s32 $0x4;
	s11 =	sand.u32 $0x1, s1;
	s14 =	smul.u32 $0xC800, s0  }
0x7: {  	s24 =	sshll.u32 s0, $0x1;
	s1 =	rddreg [dreg:$0x3];
	s29 =	smul.u32 $0xC8000, s0  }
0x8: {  	[smem:$0x7FF] =	sst s3;
	s13 =	sadd.s32 $0x400, s4;
	s16 =	smul.u32 $0x6400, s11  }
0x9: {  	s6 =	sor.u32 s11, s24;
	s5 =	ssub.s32 $0x2, s11;
	s17 =	smul.u32 $0x64000, s11  }
0xa: {  	_ =	strace $0x80000047;
	s7 =	smul.u32 $0x6400, s6;
	s25 =	sshrl.u32 s5, $0x1  }
0xb: {  	s24 =	simm.s32 $0x0;
	s10 =	smul.u32 $0x64000, s6;
	s9 =	ssub.s32 s5, s25  }
0xc: {  	s14 =	sadd.s32 s16, s14;
	s8 =	sshrl.u32 s7, $0x3;
	s26 =	sshll.u32 s7, $0x4  }
0xd: {  	s7 =	sor.u32 $0x320, s7;
	s6 =	smax.u32 s9, $0x1;
	s16 =	sadd.s32 $0x7D0, s14  }
0xe: {  	s14 =	sadd.s32 $0x640, s14;
	s4 =	sadd.s32 s13, s8;
	s28 =	sshrl.u32 s7, $0x3  }
0xf: {  	s15 =	sadd.s32 s26, s12;
	s7 =	sadd.s32 s12, s10;
	s30 =	sshrl.u32 s16, $0x3  }
.Ltmp0:
0x10: {  	s14 =	sshrl.u32 s14, $0x3;
	s16 =	simm.s32 $0x190;
	(pc) =	sbr.rel .LBB2_1-.Ltmp0, $4  }
0x11: {  	s5 =	sadd.s32 $0x32, s4;
	s8 =	sadd.s32 s13, s28;
	s9 =	sadd.s32 $0x1900, s15  }
0x12: {  	s10 =	sadd.s32 $0x96, s4;
	s15 =	sadd.s32 s29, s12;
	s11 =	sadd.s32 s30, s13  }
0x13: {  	s12 =	sadd.s32 s14, s13;
	s14 =	simm.s32 $0x200;
	s31 =	sadd.s32 s17, s15  }
0x14: {  	s15 =	simm.s32 $0x5;
	s17 =	simm.s32 $0x400;
	s13 =	sadd.s32 $0x4B00, s31  }
.LBB2_4:
0x15: {  	s24 =	sadd.s32 $0x1, s24  }
0x16: {  	_ =	swait.ge [sflag:s22], $0xC800;
	p0 =	sne.s32 s24, s6  }
.Ltmp1:
0x17: {  	[sflag:s22] =	ssyncset.done $0x0;
	(pc) =	sbr.rel @!p0 .LBB2_5-.Ltmp1, $4  }
0x18: {  	[sflag:s22] =	ssyncadd.s32 $0xFFFF3800  }
0x19: {  	_ =	swait.ge [sflag:s23], $0xC800  }
0x1a: {  	[sflag:s23] =	ssyncset.done $0x0  }
0x1b: {  	[sflag:s23] =	ssyncadd.s32 $0xFFFF3800  }
.LBB2_1:
0x1c: {  	[tilespmem:s3], [sflag:$0x5] =	stream.linear.gather [hbm4b:s4+s3], $0x190, $0x38;
	[tilespmem:$0x19400] =	vst v63  }
0x1d: {  	_ = 	snop  }
0x1e: {  	[tilespmem:s14], [sflag:$0x6] =	stream.linear.gather [hbm4b:s5+s3], $0x190, $0x38;
	[tilespmem:$0x19400] =	vst v63  }
0x1f: {  	_ =	swait.ge [sflag:s15], $0x190  }
0x20: {  	[sflag:s15] =	ssyncset.done $0x0  }
0x21: {  	[sflag:s15] =	ssyncadd.s32 $0xFFFFFE70  }
0x22: {  	[tilespmem:s17], [sflag:$0x1] =	stream.indirect.gather [hbm4b:s2+s16], $0x80, s3, s16, $0xb8;
	[tilespmem:$0x19400] =	vst v63  }
0x23: {  	_ =	swait.ge [sflag:s18], $0xC800  }
0x24: {  	[sflag:s18] =	ssyncset.done $0x0  }
0x25: {  	[sflag:s18] =	ssyncadd.s32 $0xFFFF3800  }
0x26: {  	_ =	swait.ge [sflag:s19], $0x190  }
0x27: {  	[sflag:s19] =	ssyncset.done $0x0  }
0x28: {  	[sflag:s19] =	ssyncadd.s32 $0xFFFFFE70  }
0x29: {  	[tilespmem:s20], [sflag:$0x2] =	stream.indirect.gather [hbm4b:s2+s16], $0x80, s14, s16, $0xb8;
	[tilespmem:$0x19400] =	vst v63  }
0x2a: {  	_ = 	snop  }
0x2b: {  	[hbm4b:s7+s3] =	stream.linear.scatter [tilespmem:s17], [sflag:$0x3], $0xC800, $0x38;
	[tilespmem:$0x19400] =	vst v63  }
0x2c: {  	_ = 	snop  }
0x2d: {  	[tilespmem:s3], [sflag:$0x5] =	stream.linear.gather [hbm4b:s8+s3], $0x190, $0x38;
	[tilespmem:$0x19400] =	vst v63  }
0x2e: {  	_ =	swait.ge [sflag:s21], $0xC800  }
0x2f: {  	[sflag:s21] =	ssyncset.done $0x0  }
0x30: {  	[sflag:s21] =	ssyncadd.s32 $0xFFFF3800  }
0x31: {  	_ =	swait.ge [sflag:s15], $0x190  }
0x32: {  	[sflag:s15] =	ssyncset.done $0x0  }
0x33: {  	[sflag:s15] =	ssyncadd.s32 $0xFFFFFE70  }
0x34: {  	_ =	swait.ge [sflag:s22], $0xC800  }
0x35: {  	[sflag:s22] =	ssyncset.done $0x0  }
0x36: {  	[sflag:s22] =	ssyncadd.s32 $0xFFFF3800  }
0x37: {  	[tilespmem:s17], [sflag:$0x1] =	stream.indirect.gather [hbm4b:s2+s16], $0x80, s3, s16, $0xb8;
	[tilespmem:$0x19400] =	vst v63  }
0x38: {  	_ = 	snop  }
0x39: {  	[hbm4b:s9+s3] =	stream.linear.scatter [tilespmem:s20], [sflag:$0x4], $0xC800, $0x38;
	[tilespmem:$0x19400] =	vst v63  }
0x3a: {  	s25 =	smov.u32 s13;
	s26 =	simm.s32 $0x0  }
0x3b: {  	[tilespmem:s14], [sflag:$0x6] =	stream.linear.gather [hbm4b:s10+s3], $0x190, $0x38;
	[tilespmem:$0x19400] =	vst v63  }
.LBB2_2:
0x3c: {  	_ =	swait.ge [sflag:s18], $0xC800  }
0x3d: {  	[sflag:s18] =	ssyncset.done $0x0  }
0x3e: {  	[sflag:s18] =	ssyncadd.s32 $0xFFFF3800  }
0x3f: {  	_ =	swait.ge [sflag:s23], $0xC800  }
0x40: {  	[sflag:s23] =	ssyncset.done $0x0  }
0x41: {  	[sflag:s23] =	ssyncadd.s32 $0xFFFF3800  }
0x42: {  	_ =	swait.ge [sflag:s19], $0x190  }
0x43: {  	[sflag:s19] =	ssyncset.done $0x0  }
0x44: {  	[sflag:s19] =	ssyncadd.s32 $0xFFFFFE70  }
0x45: {  	[tilespmem:s20], [sflag:$0x2] =	stream.indirect.gather [hbm4b:s2+s16], $0x80, s14, s16, $0xb8;
	[tilespmem:$0x19400] =	vst v63  }
0x46: {  	s28 =	sadd.s32 $0xFFFFE700, s25;
	p0 =	seq.s32 s26, $0xBB8  }
0x47: {  	[hbm4b:s28+s3] =	stream.linear.scatter [tilespmem:s17], [sflag:$0x3], $0xC800, $0x38;
	[tilespmem:$0x19400] =	vst v63  }
0x48: {  	s28 =	simm.s32 @p0 $0x2  }
0x49: {  	_ =	swait.ge @p0 [sflag:s28], $0xC800  }
0x4a: {  	[sflag:s28] =	ssyncset.done @p0 $0x0  }
0x4b: {  	s29 =	simm.s32 @!p0 $0x0;
	[sflag:s28] =	ssyncadd.s32 @p0 $0xFFFF3800;
	s28 =	sadd.s32 @!p0 s26, s12  }
0x4c: {  	[tilespmem:s29], [sflag:$0x5] =	stream.linear.gather @!p0 [hbm4b:s28+s29], $0x190, $0x38;
	[tilespmem:$0x19400] =	vst v63  }
0x4d: {  	s28 =	simm.s32 @!p0 $0x2  }
0x4e: {  	_ =	swait.ge @!p0 [sflag:s28], $0xC800  }
0x4f: {  	[sflag:s28] =	ssyncset.done @!p0 $0x0  }
0x50: {  	[sflag:s28] =	ssyncadd.s32 @!p0 $0xFFFF3800;
	s28 =	simm.s32 @!p0 $0x5  }
0x51: {  	_ =	swait.ge @!p0 [sflag:s28], $0x190  }
0x52: {  	[sflag:s28] =	ssyncset.done @!p0 $0x0  }
0x53: {  	[sflag:s28] =	ssyncadd.s32 @!p0 $0xFFFFFE70;
	s28 =	simm.s32 @!p0 $0x3  }
0x54: {  	_ =	swait.ge @!p0 [sflag:s28], $0xC800  }
.Ltmp2:
0x55: {  	[sflag:s28] =	ssyncset.done @!p0 $0x0;
	(pc) =	sbr.rel @p0 .LBB2_4-.Ltmp2, $4  }
0x56: {  	s30 =	simm.s32 @!p0 $0x400;
	[sflag:s28] =	ssyncadd.s32 @!p0 $0xFFFF3800;
	s28 =	simm.s32 @!p0 $0x190  }
0x57: {  	[tilespmem:s30], [sflag:$0x1] =	stream.indirect.gather @!p0 [hbm4b:s2+s28], $0x80, s29, s28, $0xb8;
	[tilespmem:$0x19400] =	vst v63  }
0x58: {  	_ = 	snop  }
0x59: {  	[hbm4b:s25+s3] =	stream.linear.scatter [tilespmem:s20], [sflag:$0x4], $0xC800, $0x38;
	[tilespmem:$0x19400] =	vst v63  }
.Ltmp3:
0x5a: {  	(pc) =	sbr.rel .LBB2_2-.Ltmp3, $3  }
0x5b: {  	_ =	sdelay $0x1  }
0x5c: {  	s28 =	sadd.s32 s26, s11;
	s26 =	sadd.s32 $0x64, s26;
	s25 =	sadd.s32 $0x3200, s25  }
0x5d: {  	[tilespmem:s14], [sflag:$0x6] =	stream.linear.gather [hbm4b:s28+s3], $0x190, $0x38;
	[tilespmem:$0x19400] =	vst v63  }
.LBB2_5:
0x5e: {  	_ =	sfence.sel $0x180000  }
0x5f: {  	[bflag:$0x0] =	sbarrier.arrive $0xFFFF  }
0x60: {  	p0 =	sne.s32 s0, $0x0;
	_ =	strace $0x90000047  }
0x61: {  	s0 =	sadd.s32 @!p0 $0x100000, s1;
	[bflag:$0x2] =	sbarrier.arrive $0xFFFF  }
0x62: {  	[sflag:s0] =	ssyncadd.tile.s32 @!p0 $0x1;
	_ =	shalt  }
.Lfunc_end2:
_tile_overlayer_lowered:
.L_overlay_start_2:
0x63: {  	(tag) =	ssettag $0x2  }
0x64: {  	s0 =	rddreg [dreg:$0x0];
	s2 =	stileid.u32  }
0x65: {  	s1 =	rddreg [dreg:$0x1];
	p0 =	sne.s32 s2, $0x0  }
0x66: {  	s3 =	rddreg [dreg:$0x2];
	[bflag:$0x3] =	sbarrier.arrive $0xFFFF;
	s2 =	simm.s32 @!p0 $0x1C07  }
0x67: {  	[timem:s3], [sflag:s2] =	dma.local @!p0 [hbm:s0], s1  }
0x68: {  	s0 =	simm.s32 @!p0 $0x7  }
0x69: {  	_ =	swait.ge @!p0 [sflag:s0], s1  }
0x6a: {  	s1 =	ssub.s32 @!p0 $0x0, s1;
	[sflag:s0] =	ssyncset.done @!p0 $0x0  }
0x6b: {  	[sflag:s0] =	ssyncadd.s32 @!p0 s1  }
0x6c: {  	[bflag:$0x3] =	sbarrier.arrive $0xFFFF  }
0x6d: {  	_ =	shalt  }

</sc_bundles>
